<compile_context>
chip_gen: v7x
topology: tpu7x:2x2x1
jax: 0.10.2.dev20260603
libtpu: 0.0.44.dev20260713+nightly
codegen_flags: <defaults>
</compile_context>

<pallas_src>
import functools

import jax
import jax.numpy as jnp
from jax import lax
from jax.experimental import pallas as pl
from jax.experimental.pallas import tpu as pltpu
from jax.experimental.pallas import tpu_sc as plsc

_TB = 256


def _loss_block_kernel(xa_ref, xb_ref, tgt_ref, reward_ref, out_ref):
    xa = xa_ref[...]
    xb = xb_ref[...]
    tb, vh = xa.shape
    tgt = tgt_ref[0, 0, :]
    cols = jax.lax.broadcasted_iota(jnp.int32, (tb, vh), 1)
    neg = jnp.float32(-jnp.inf)
    ga = jnp.max(jnp.where(cols == tgt[:, None], xa, neg), axis=1)
    gb = jnp.max(jnp.where(cols + vh == tgt[:, None], xb, neg), axis=1)
    g = jnp.maximum(ga, gb)
    m = jnp.maximum(jnp.max(xa, axis=1), jnp.max(xb, axis=1))
    mc = m[:, None]
    s = jnp.sum(jnp.exp(xa - mc), axis=1) + jnp.sum(jnp.exp(xb - mc), axis=1)
    sel = jnp.exp(g - m) / s
    mask = (tgt > 0).astype(jnp.float32)
    partial = jnp.sum(sel * mask * reward_ref[0, 0, :])
    out_ref[...] = jnp.full(out_ref.shape, -partial, out_ref.dtype)


def _make_sc_sum(nt):
    mesh = plsc.VectorSubcoreMesh(core_axis_name="c", subcore_axis_name="s")

    @functools.partial(
        pl.kernel,
        mesh=mesh,
        out_type=jax.ShapeDtypeStruct((16,), jnp.float32),
        scratch_types=[
            pltpu.VMEM((nt * 16,), jnp.float32),
            pltpu.VMEM((16,), jnp.float32),
        ],
    )
    def sc_sum(parts_hbm, out_hbm, buf, acc):
        cid = lax.axis_index("c")
        sid = lax.axis_index("s")

        @pl.when((cid == 0) & (sid == 0))
        def _():
            pltpu.sync_copy(parts_hbm, buf)
            total = jnp.zeros((16,), jnp.float32)
            for j in range(nt):
                total = total + buf[pl.ds(j * 16, 16)]
            acc[...] = total
            pltpu.sync_copy(acc, out_hbm)

    return sc_sum


def kernel(preds, tgt, tgt_pos, reward):
    b, seq, v = preds.shape
    n = b * seq
    nt = n // _TB
    vh = v // 2
    preds2 = preds.reshape(n, v)
    tgt3 = tgt.reshape(nt, 1, _TB)
    reward3 = reward.reshape(nt, 1, _TB)

    parts = pl.pallas_call(
        _loss_block_kernel,
        grid=(nt,),
        in_specs=[
            pl.BlockSpec((_TB, vh), lambda i: (i, 0)),
            pl.BlockSpec((_TB, vh), lambda i: (i, 1)),
            pl.BlockSpec((1, 1, _TB), lambda i: (i, 0, 0)),
            pl.BlockSpec((1, 1, _TB), lambda i: (i, 0, 0)),
        ],
        out_specs=pl.BlockSpec((1, 1, 16), lambda i: (i, 0, 0)),
        out_shape=jax.ShapeDtypeStruct((nt, 1, 16), jnp.float32),
        compiler_params=pltpu.CompilerParams(
            vmem_limit_bytes=110 * 1024 * 1024,
        ),
    )(preds2, preds2, tgt3, reward3)

    out = _make_sc_sum(nt)(parts.reshape(nt * 16))
    return out[0]

# --- scband reference (transcript-rebuilt; emitter-appended) ---
"""Pipeline reference for scband-ganloss-19705309954325 (READ-ONLY COPY).

The authoritative reference and input builder live on the scoring server;
editing this copy changes nothing except your own understanding.
"""

import jax, jax.numpy as jnp
import numpy as np

B, S, V = 2, 2048, 32000

def setup_inputs(seed: int = 0) -> dict:
    key = jax.random.key(seed)
    k1, k2, k3, k4 = jax.random.split(key, 4)
    preds = jax.random.normal(k1, (B, S, V), dtype=jnp.float32)
    tgt = jax.random.randint(k2, (B, S), 0, V, dtype=jnp.int32)
    tgt_pos = jax.random.randint(k3, (B, S), 0, S, dtype=jnp.int32)
    reward = jax.random.uniform(k4, (B, S), dtype=jnp.float32)
    return {"preds": preds, "tgt": tgt, "tgt_pos": tgt_pos, "reward": reward}

def reference(preds, tgt, tgt_pos, reward):
    # softmax over the word dim, flatten tokens
    num_word = preds.shape[2]
    prob = jax.nn.softmax(preds, axis=2).reshape(-1, num_word)  # [B*S, V]
    tgt_flat = tgt.reshape(-1)                                   # [B*S]
    pad_mask = (tgt_flat > 0).astype(prob.dtype)                 # [B*S]
    # gather the probability of the target word per token (one-hot scatter + masked_select in torch)
    sel = jnp.take_along_axis(prob, tgt_flat[:, None].astype(jnp.int32), axis=1)[:, 0]
    loss = sel * pad_mask * reward.reshape(-1)
    return -jnp.sum(loss)

if __name__ == "__main__":
    import jax
    _d = setup_inputs()
    print(jax.jit(kernel)(*tuple(_d.values())))

</pallas_src>

<mosaic_0001>
#map = affine_map<(d0, d1) -> (0)>
module attributes {stable_mosaic.version = 14 : i64} {
  func.func @sc_sum(%arg0: i32, %arg1: i32, %arg2: memref<256xf32, #tpu.memory_space<hbm>>, %arg3: memref<16xf32, #tpu.memory_space<hbm>>, %arg4: memref<256xf32, #tpu.memory_space<vmem>>, %arg5: memref<16xf32, #tpu.memory_space<vmem>>) attributes {dimension_semantics = [#tpu.dimension_semantics<core_parallel>, #tpu.dimension_semantics<subcore_parallel>], iteration_bounds = array<i64: 2, 16>, scalar_prefetch = 0 : i64, scratch_operands = 2 : i64, tpu.core_type = #tpu.core_type<sc_vector_subcore>, window_params = [{transform_indices = #map}, {transform_indices = #map}]} {
    %eq3A = arith.constant 0 : i32
    %eq3A_0 = arith.cmpi eq, %arg0, %eq3A : i32
    %eq3A_1 = arith.constant 0 : i32
    %eq3A_2 = arith.cmpi eq, %arg1, %eq3A_1 : i32
    %and3A = arith.andi %eq3A_0, %eq3A_2 : i1
    %convert_element_type3A = arith.extui %and3A : i1 to i32
    %cond3A = arith.constant 0 : i32
    %cond3A_3 = arith.cmpi ne, %convert_element_type3A, %cond3A : i32
    scf.if %cond3A_3 {
      "tpu.region"() ({
        %run_scoped3A = tpu.sem_alloc : memref<!tpu.dma_semaphore, #tpu.memory_space<semaphore_mem>>
        tpu.enqueue_dma source(%arg2 : memref<256xf32, #tpu.memory_space<hbm>>) target(%arg4 : memref<256xf32, #tpu.memory_space<vmem>>) target_semaphore(%run_scoped3A : memref<!tpu.dma_semaphore, #tpu.memory_space<semaphore_mem>>)
        tpu.wait_dma2 semaphore(%run_scoped3A : memref<!tpu.dma_semaphore, #tpu.memory_space<semaphore_mem>>) src(%arg2 : memref<256xf32, #tpu.memory_space<hbm>>) dst(%arg4 : memref<256xf32, #tpu.memory_space<vmem>>)
        tpu.yield
      }) : () -> ()
      %broadcast_in_dim3A = arith.constant 0.000000e+00 : f32
      %broadcast_in_dim3A_4 = vector.broadcast %broadcast_in_dim3A : f32 to vector<16xf32>
      %get3A = arith.constant 0 : index
      %get3A_5 = tpu.vector_load %arg4[%get3A] {strides = array<i32>} : memref<256xf32, #tpu.memory_space<vmem>>, vector<16xf32>,
      %get3A_6 = vector.shape_cast %get3A_5 : vector<16xf32> to vector<16xf32>
      %add3A = arith.addf %broadcast_in_dim3A_4, %get3A_6 : vector<16xf32>
      %get3A_7 = arith.constant 16 : index
      %get3A_8 = tpu.vector_load %arg4[%get3A_7] {strides = array<i32>} : memref<256xf32, #tpu.memory_space<vmem>>, vector<16xf32>,
      %get3A_9 = vector.shape_cast %get3A_8 : vector<16xf32> to vector<16xf32>
      %add3A_10 = arith.addf %add3A, %get3A_9 : vector<16xf32>
      %get3A_11 = arith.constant 32 : index
      %get3A_12 = tpu.vector_load %arg4[%get3A_11] {strides = array<i32>} : memref<256xf32, #tpu.memory_space<vmem>>, vector<16xf32>,
      %get3A_13 = vector.shape_cast %get3A_12 : vector<16xf32> to vector<16xf32>
      %add3A_14 = arith.addf %add3A_10, %get3A_13 : vector<16xf32>
      %get3A_15 = arith.constant 48 : index
      %get3A_16 = tpu.vector_load %arg4[%get3A_15] {strides = array<i32>} : memref<256xf32, #tpu.memory_space<vmem>>, vector<16xf32>,
      %get3A_17 = vector.shape_cast %get3A_16 : vector<16xf32> to vector<16xf32>
      %add3A_18 = arith.addf %add3A_14, %get3A_17 : vector<16xf32>
      %get3A_19 = arith.constant 64 : index
      %get3A_20 = tpu.vector_load %arg4[%get3A_19] {strides = array<i32>} : memref<256xf32, #tpu.memory_space<vmem>>, vector<16xf32>,
      %get3A_21 = vector.shape_cast %get3A_20 : vector<16xf32> to vector<16xf32>
      %add3A_22 = arith.addf %add3A_18, %get3A_21 : vector<16xf32>
      %get3A_23 = arith.constant 80 : index
      %get3A_24 = tpu.vector_load %arg4[%get3A_23] {strides = array<i32>} : memref<256xf32, #tpu.memory_space<vmem>>, vector<16xf32>,
      %get3A_25 = vector.shape_cast %get3A_24 : vector<16xf32> to vector<16xf32>
      %add3A_26 = arith.addf %add3A_22, %get3A_25 : vector<16xf32>
      %get3A_27 = arith.constant 96 : index
      %get3A_28 = tpu.vector_load %arg4[%get3A_27] {strides = array<i32>} : memref<256xf32, #tpu.memory_space<vmem>>, vector<16xf32>,
      %get3A_29 = vector.shape_cast %get3A_28 : vector<16xf32> to vector<16xf32>
      %add3A_30 = arith.addf %add3A_26, %get3A_29 : vector<16xf32>
      %get3A_31 = arith.constant 112 : index
      %get3A_32 = tpu.vector_load %arg4[%get3A_31] {strides = array<i32>} : memref<256xf32, #tpu.memory_space<vmem>>, vector<16xf32>,
      %get3A_33 = vector.shape_cast %get3A_32 : vector<16xf32> to vector<16xf32>
      %add3A_34 = arith.addf %add3A_30, %get3A_33 : vector<16xf32>
      %get3A_35 = arith.constant 128 : index
      %get3A_36 = tpu.vector_load %arg4[%get3A_35] {strides = array<i32>} : memref<256xf32, #tpu.memory_space<vmem>>, vector<16xf32>,
      %get3A_37 = vector.shape_cast %get3A_36 : vector<16xf32> to vector<16xf32>
      %add3A_38 = arith.addf %add3A_34, %get3A_37 : vector<16xf32>
      %get3A_39 = arith.constant 144 : index
      %get3A_40 = tpu.vector_load %arg4[%get3A_39] {strides = array<i32>} : memref<256xf32, #tpu.memory_space<vmem>>, vector<16xf32>,
      %get3A_41 = vector.shape_cast %get3A_40 : vector<16xf32> to vector<16xf32>
      %add3A_42 = arith.addf %add3A_38, %get3A_41 : vector<16xf32>
      %get3A_43 = arith.constant 160 : index
      %get3A_44 = tpu.vector_load %arg4[%get3A_43] {strides = array<i32>} : memref<256xf32, #tpu.memory_space<vmem>>, vector<16xf32>,
      %get3A_45 = vector.shape_cast %get3A_44 : vector<16xf32> to vector<16xf32>
      %add3A_46 = arith.addf %add3A_42, %get3A_45 : vector<16xf32>
      %get3A_47 = arith.constant 176 : index
      %get3A_48 = tpu.vector_load %arg4[%get3A_47] {strides = array<i32>} : memref<256xf32, #tpu.memory_space<vmem>>, vector<16xf32>,
      %get3A_49 = vector.shape_cast %get3A_48 : vector<16xf32> to vector<16xf32>
      %add3A_50 = arith.addf %add3A_46, %get3A_49 : vector<16xf32>
      %get3A_51 = arith.constant 192 : index
      %get3A_52 = tpu.vector_load %arg4[%get3A_51] {strides = array<i32>} : memref<256xf32, #tpu.memory_space<vmem>>, vector<16xf32>,
      %get3A_53 = vector.shape_cast %get3A_52 : vector<16xf32> to vector<16xf32>
      %add3A_54 = arith.addf %add3A_50, %get3A_53 : vector<16xf32>
      %get3A_55 = arith.constant 208 : index
      %get3A_56 = tpu.vector_load %arg4[%get3A_55] {strides = array<i32>} : memref<256xf32, #tpu.memory_space<vmem>>, vector<16xf32>,
      %get3A_57 = vector.shape_cast %get3A_56 : vector<16xf32> to vector<16xf32>
      %add3A_58 = arith.addf %add3A_54, %get3A_57 : vector<16xf32>
      %get3A_59 = arith.constant 224 : index
      %get3A_60 = tpu.vector_load %arg4[%get3A_59] {strides = array<i32>} : memref<256xf32, #tpu.memory_space<vmem>>, vector<16xf32>,
      %get3A_61 = vector.shape_cast %get3A_60 : vector<16xf32> to vector<16xf32>
      %add3A_62 = arith.addf %add3A_58, %get3A_61 : vector<16xf32>
      %get3A_63 = arith.constant 240 : index
      %get3A_64 = tpu.vector_load %arg4[%get3A_63] {strides = array<i32>} : memref<256xf32, #tpu.memory_space<vmem>>, vector<16xf32>,
      %get3A_65 = vector.shape_cast %get3A_64 : vector<16xf32> to vector<16xf32>
      %add3A_66 = arith.addf %add3A_62, %get3A_65 : vector<16xf32>
      %swap3A = arith.constant 0 : index
      %swap3A_67 = tpu.vector_load %arg5[%swap3A] {strides = array<i32>} : memref<16xf32, #tpu.memory_space<vmem>>, vector<16xf32>,
      %swap3A_68 = vector.shape_cast %swap3A_67 : vector<16xf32> to vector<16xf32>
      %swap3A_69 = vector.shape_cast %add3A_66 : vector<16xf32> to vector<16xf32>
      tpu.vector_store %arg5[%swap3A], %swap3A_69 {strides = array<i32>} : memref<16xf32, #tpu.memory_space<vmem>>, vector<16xf32>,
      "tpu.region"() ({
        %run_scoped3A = tpu.sem_alloc : memref<!tpu.dma_semaphore, #tpu.memory_space<semaphore_mem>>
        tpu.enqueue_dma source(%arg5 : memref<16xf32, #tpu.memory_space<vmem>>) target(%arg3 : memref<16xf32, #tpu.memory_space<hbm>>) target_semaphore(%run_scoped3A : memref<!tpu.dma_semaphore, #tpu.memory_space<semaphore_mem>>)
        tpu.wait_dma2 semaphore(%run_scoped3A : memref<!tpu.dma_semaphore, #tpu.memory_space<semaphore_mem>>) src(%arg5 : memref<16xf32, #tpu.memory_space<vmem>>) dst(%arg3 : memref<16xf32, #tpu.memory_space<hbm>>)
        tpu.yield
      }) : () -> ()
    } else {
    }
    return
  }
}

module attributes {stable_mosaic.version = 14 : i64} {
  func.func @_loss_block_kernel(%arg0: i32, %arg1: memref<256x16000xf32, #tpu.memory_space<vmem>>, %arg2: memref<256x16000xf32, #tpu.memory_space<vmem>>, %arg3: memref<1x1x256xi32, #tpu.memory_space<vmem>>, %arg4: memref<1x1x256xf32, #tpu.memory_space<vmem>>, %arg5: memref<1x1x16xf32, #tpu.memory_space<vmem>>) attributes {dimension_semantics = [#tpu.dimension_semantics<arbitrary>], iteration_bounds = array<i64: 16>, scalar_prefetch = 0 : i64, scratch_operands = 0 : i64, tpu.core_type = #tpu.core_type<tc>, window_params = [{transform_indices = @transform_0, window_bounds = array<i64: 256, 16000>}, {transform_indices = @transform_1, window_bounds = array<i64: 256, 16000>}, {transform_indices = @transform_2, window_bounds = array<i64: 1, 1, 256>}, {transform_indices = @transform_3, window_bounds = array<i64: 1, 1, 256>}, {transform_indices = @transform_4, window_bounds = array<i64: 1, 1, 16>}]} {
    %get3A = arith.constant 0 : index
    %get3A_0 = arith.constant 0 : index
    %get3A_1 = vector.load %arg1[%get3A, %get3A_0] : memref<256x16000xf32, #tpu.memory_space<vmem>>, vector<256x16000xf32>
    %get3A_2 = arith.constant 0 : index
    %get3A_3 = arith.constant 0 : index
    %get3A_4 = vector.load %arg2[%get3A_2, %get3A_3] : memref<256x16000xf32, #tpu.memory_space<vmem>>, vector<256x16000xf32>
    %get3A_5 = arith.constant 0 : index
    %get3A_6 = arith.constant 0 : index
    %get3A_7 = arith.constant 0 : index
    %get3A_8 = vector.load %arg3[%get3A_5, %get3A_6, %get3A_7] : memref<1x1x256xi32, #tpu.memory_space<vmem>>, vector<1x1x256xi32>
    %get3A_9 = vector.shape_cast %get3A_8 : vector<1x1x256xi32> to vector<256xi32>
    %iota3A = tpu.iota {dimensions = array<i32: 1>} : vector<256x16000xi32>
    %broadcast_in_dim3A = vector.shape_cast %get3A_9 : vector<256xi32> to vector<256x1xi32>
    %eq3A = vector.broadcast %broadcast_in_dim3A : vector<256x1xi32> to vector<256x16000xi32>
    %eq3A_10 = arith.cmpi eq, %iota3A, %eq3A : vector<256x16000xi32>
    %jit3A = arith.constant 0xFF800000 : f32
    %broadcast_in_dim3A_11 = vector.broadcast %jit3A : f32 to vector<256x16000xf32>
    %select_n3A = arith.select %eq3A_10, %get3A_1, %broadcast_in_dim3A_11 : vector<256x16000xi1>, vector<256x16000xf32>
    %reduce_max3A = arith.constant dense<0xFF800000> : vector<256xf32>
    %reduce_max3A_12 = vector.multi_reduction <maximumf>, %select_n3A, %reduce_max3A [1] : vector<256x16000xf32> to vector<256xf32>
    %add3A = arith.constant 16000 : i32
    %add3A_13 = vector.broadcast %add3A : i32 to vector<256x16000xi32>
    %add3A_14 = arith.addi %iota3A, %add3A_13 : vector<256x16000xi32>
    %broadcast_in_dim3A_15 = vector.shape_cast %get3A_9 : vector<256xi32> to vector<256x1xi32>
    %eq3A_16 = vector.broadcast %broadcast_in_dim3A_15 : vector<256x1xi32> to vector<256x16000xi32>
    %eq3A_17 = arith.cmpi eq, %add3A_14, %eq3A_16 : vector<256x16000xi32>
    %jit3A_18 = arith.constant 0xFF800000 : f32
    %broadcast_in_dim3A_19 = vector.broadcast %jit3A_18 : f32 to vector<256x16000xf32>
    %select_n3A_20 = arith.select %eq3A_17, %get3A_4, %broadcast_in_dim3A_19 : vector<256x16000xi1>, vector<256x16000xf32>
    %reduce_max3A_21 = arith.constant dense<0xFF800000> : vector<256xf32>
    %reduce_max3A_22 = vector.multi_reduction <maximumf>, %select_n3A_20, %reduce_max3A_21 [1] : vector<256x16000xf32> to vector<256xf32>
    %max3A = arith.maximumf %reduce_max3A_12, %reduce_max3A_22 : vector<256xf32>
    %reduce_max3A_23 = arith.constant dense<0xFF800000> : vector<256xf32>
    %reduce_max3A_24 = vector.multi_reduction <maximumf>, %get3A_1, %reduce_max3A_23 [1] : vector<256x16000xf32> to vector<256xf32>
    %reduce_max3A_25 = arith.constant dense<0xFF800000> : vector<256xf32>
    %reduce_max3A_26 = vector.multi_reduction <maximumf>, %get3A_4, %reduce_max3A_25 [1] : vector<256x16000xf32> to vector<256xf32>
    %max3A_27 = arith.maximumf %reduce_max3A_24, %reduce_max3A_26 : vector<256xf32>
    %broadcast_in_dim3A_28 = vector.shape_cast %max3A_27 : vector<256xf32> to vector<256x1xf32>
    %sub3A = vector.broadcast %broadcast_in_dim3A_28 : vector<256x1xf32> to vector<256x16000xf32>
    %sub3A_29 = arith.subf %get3A_1, %sub3A : vector<256x16000xf32>
    %exp3A = math.exp %sub3A_29 : vector<256x16000xf32>
    %reduce_sum3A = arith.constant dense<0.000000e+00> : vector<256xf32>
    %reduce_sum3A_30 = vector.multi_reduction <add>, %exp3A, %reduce_sum3A [1] : vector<256x16000xf32> to vector<256xf32>
    %sub3A_31 = vector.broadcast %broadcast_in_dim3A_28 : vector<256x1xf32> to vector<256x16000xf32>
    %sub3A_32 = arith.subf %get3A_4, %sub3A_31 : vector<256x16000xf32>
    %exp3A_33 = math.exp %sub3A_32 : vector<256x16000xf32>
    %reduce_sum3A_34 = arith.constant dense<0.000000e+00> : vector<256xf32>
    %reduce_sum3A_35 = vector.multi_reduction <add>, %exp3A_33, %reduce_sum3A_34 [1] : vector<256x16000xf32> to vector<256xf32>
    %add3A_36 = arith.addf %reduce_sum3A_30, %reduce_sum3A_35 : vector<256xf32>
    %sub3A_37 = arith.subf %max3A, %max3A_27 : vector<256xf32>
    %exp3A_38 = math.exp %sub3A_37 : vector<256xf32>
    %div3A = arith.divf %exp3A_38, %add3A_36 : vector<256xf32>
    %gt3A = arith.constant 0 : i32
    %gt3A_39 = vector.broadcast %gt3A : i32 to vector<256xi32>
    %gt3A_40 = arith.cmpi sgt, %get3A_9, %gt3A_39 : vector<256xi32>
    %convert_element_type3A = arith.extui %gt3A_40 : vector<256xi1> to vector<256xi32>
    %convert_element_type3A_41 = arith.sitofp %convert_element_type3A : vector<256xi32> to vector<256xf32>
    %mul3A = arith.mulf %div3A, %convert_element_type3A_41 : vector<256xf32>
    %get3A_42 = arith.constant 0 : index
    %get3A_43 = arith.constant 0 : index
    %get3A_44 = arith.constant 0 : index
    %get3A_45 = vector.load %arg4[%get3A_42, %get3A_43, %get3A_44] : memref<1x1x256xf32, #tpu.memory_space<vmem>>, vector<1x1x256xf32>
    %get3A_46 = vector.shape_cast %get3A_45 : vector<1x1x256xf32> to vector<256xf32>
    %mul3A_47 = arith.mulf %mul3A, %get3A_46 : vector<256xf32>
    %reduce_sum3A_48 = vector.shape_cast %mul3A_47 : vector<256xf32> to vector<1x256xf32>
    %reduce_sum3A_49 = arith.constant dense<0.000000e+00> : vector<1xf32>
    %reduce_sum3A_50 = vector.multi_reduction <add>, %reduce_sum3A_48, %reduce_sum3A_49 [1] : vector<1x256xf32> to vector<1xf32>
    %reduce_sum3A_51 = vector.shape_cast %reduce_sum3A_50 : vector<1xf32> to vector<1x1xf32>
    %reduce_sum3A_52 = vector.extract %reduce_sum3A_51[0, 0] : f32 from vector<1x1xf32>
    %neg3A = arith.constant 0.000000e+00 : f32
    %neg3A_53 = arith.subf %neg3A, %reduce_sum3A_52 : f32
    %broadcast_in_dim3A_54 = vector.broadcast %neg3A_53 : f32 to vector<1x1x16xf32>
    %swap3A = arith.constant 0 : index
    %swap3A_55 = arith.constant 0 : index
    %swap3A_56 = arith.constant 0 : index
    %swap3A_57 = vector.load %arg5[%swap3A, %swap3A_55, %swap3A_56] : memref<1x1x16xf32, #tpu.memory_space<vmem>>, vector<1x1x16xf32>
    tpu.vector_store %arg5[%swap3A, %swap3A_55, %swap3A_56], %broadcast_in_dim3A_54 {strides = array<i32>} : memref<1x1x16xf32, #tpu.memory_space<vmem>>, vector<1x1x16xf32>,
    return
  }
  func.func @transform_0(%arg0: i32) -> (i32, i32) {
    %c0_i32 = arith.constant 0 : i32
    %c0_i32_0 = arith.constant 0 : i32
    return %arg0, %c0_i32 : i32, i32
  }
  func.func @transform_1(%arg0: i32) -> (i32, i32) {
    %c1_i32 = arith.constant 1 : i32
    %c0_i32 = arith.constant 0 : i32
    return %arg0, %c1_i32 : i32, i32
  }
  func.func @transform_2(%arg0: i32) -> (i32, i32, i32) {
    %c0_i32 = arith.constant 0 : i32
    %c0_i32_0 = arith.constant 0 : i32
    %c0_i32_1 = arith.constant 0 : i32
    return %arg0, %c0_i32, %c0_i32_0 : i32, i32, i32
  }
  func.func @transform_3(%arg0: i32) -> (i32, i32, i32) {
    %c0_i32 = arith.constant 0 : i32
    %c0_i32_0 = arith.constant 0 : i32
    %c0_i32_1 = arith.constant 0 : i32
    return %arg0, %c0_i32, %c0_i32_0 : i32, i32, i32
  }
  func.func @transform_4(%arg0: i32) -> (i32, i32, i32) {
    %c0_i32 = arith.constant 0 : i32
    %c0_i32_0 = arith.constant 0 : i32
    %c0_i32_1 = arith.constant 0 : i32
    return %arg0, %c0_i32, %c0_i32_0 : i32, i32, i32
  }
}

</mosaic_0001>

<sc_bundles>
// kernel: kernel.4.cloned.1.call-start
scs
__scs_entry_jumppad:
0x0: {  	(pc) =	sbr.rel $0x88, $3  }
0x1: {  	(tag) =	ssettag $0x0;
	lr =	simm.s32 $0x1  }
0x2: {  	[smem:$0x3F9E] =	sst lr;
	_ =	strace $0xD0000000  }
0x3: {  	_ = 	snop  }
0x4: {  	_ = 	snop  }
0x5: {  	_ = 	snop  }
0x6: {  	_ = 	snop  }
0x7: {  	_ = 	snop  }
__scs_overlays_trampoline_lowered:
0x8: {  	[smem:$0x3FAD] =	sst s0  }
0x9: {  	[smem:$0x3FAE] =	sst s1  }
0xa: {  	[smem:$0x3FAF] =	sst s2  }
0xb: {  	[smem:$0x3FB0] =	sst s3  }
0xc: {  	[smem:$0x3FB1] =	sst s4  }
0xd: {  	[smem:$0x3FB2] =	sst s5  }
0xe: {  	[smem:$0x3FB3] =	sst s6  }
0xf: {  	[smem:$0x3FB4] =	sst s7  }
0x10: {  	[smem:$0x3FB5] =	sst s8  }
0x11: {  	[smem:$0x3FB6] =	sst s9;
	s0 =	simm.s32 @!p0 $0x0  }
0x12: {  	s1 =	sld [smem:$0x3F9C];
	s0 =	simm.s32 @p0 $0x1  }
0x13: {  	[smem:$0x3FB7] =	sst s0;
	s0 =	simm.s32 @!p1 $0x0  }
0x14: {  	s2 =	sld [smem:$0x3F9B];
	s0 =	simm.s32 @p1 $0x1  }
0x15: {  	[smem:$0x3FB8] =	sst s0;
	s0 =	simm.s32 @!p2 $0x0  }
0x16: {  	s3 =	sld [smem:$0x3FDB];
	s0 =	simm.s32 @p2 $0x1  }
0x17: {  	s4 =	simm.s32 $0x1BF5;
	[smem:$0x3FBA] =	sst s0  }
0x18: {  	s0 =	sld [smem:$0x3F9D];
	_ =	swait.ge [sflag:s4], $0x0  }
0x19: {  	s7 =	sld [smem:$0x3F9E]  }
0x1a: {  	s8 =	sadd.s32 $0xFFFFE003, lr  }
0x1b: {  	s9 =	sadd.s32 $0xFFFFFEF7, lr;
	s5 =	simm.s32 $0xFFFFFFFF;
	p2 =	slt.u32 s8, $0xFFFFF086  }
0x1c: {  	p1 =	slt.u32 s9, $0xF7A;
	s5 =	simm.s32 @!p2 $0x0  }
0x1d: {  	s5 =	simm.s32 @p1 $0x1;
	p0 =	seq.s32 s7, s2  }
0x1e: {  	s7 =	smul.u32 @!p0 $0xF7A, s2;
	p2 =	seq.s32 @!p0 s5, $0x0  }
0x1f: {  	s9 =	smul.u32 $0xF7A, s1;
	s8 =	simm.s32 @!p0 $0x1BF5;
	p2 =	por !p2, p0  }
0x20: {  	[sflag:s8] =	ssyncset.s32 @!p0 $0xFFFFF086;
	s6 =	sadd.s32 @!p0 s3, s7;
	s7 =	simm.s32 @!p0 $0x108  }
0x21: {  	s3 =	sadd.s32 s3, s9;
	s6 =	sadd.s32 @!p0 $0x88, s6;
	s7 =	simm.s32 @p2 $0x1082  }
0x22: {  	[simem:s7], [sflag:s8] =	dma.local @!p0 [hbm:s6], $0xF7A  }
0x23: {  	s9 =	sor.u32 $0xD0000000, s2;
	s6 =	simm.s32 $0x108;
	_ =	swait.ge @!p0 [sflag:s8], $0x0  }
0x24: {  	s3 =	sadd.s32 $0x88, s3;
	s6 =	simm.s32 @!p1 $0x1082;
	[sflag:s4] =	ssyncset.s32 $0xFFFFF086  }
0x25: {  	[simem:s6], [sflag:s4] =	dma.local [hbm:s3], $0xF7A  }
0x26: {  	[smem:$0x3F9E] =	sst s1;
	(tag) =	ssettag s2;
	_ =	strace s9  }
0x27: {  	s1 =	sld [smem:$0x3FAE]  }
0x28: {  	s2 =	sld [smem:$0x3FAF]  }
0x29: {  	s4 =	sld [smem:$0x3FB1]  }
0x2a: {  	p0 =	seq.s32 s5, $0x0;
	s5 =	sld [smem:$0x3FB2]  }
0x2b: {  	s6 =	sld [smem:$0x3FB3]  }
0x2c: {  	s7 =	sld [smem:$0x3FB4]  }
0x2d: {  	s3 =	simm.s32 $0x108;
	s8 =	sld [smem:$0x3FB5]  }
0x2e: {  	s3 =	simm.s32 @!p0 $0x1082;
	s9 =	sld [smem:$0x3FB6]  }
0x2f: {  	lr =	sadd.s32 s0, s3;
	s0 =	sld [smem:$0x3FAD]  }
0x30: {  	s3 =	sld [smem:$0x3FB0]  }
0x31: {  	[smem:$0x3FB9] =	sst s10  }
0x32: {  	s10 =	sld [smem:$0x3FB7];
	_ =	sdelay $0x3  }
0x33: {  	p0 =	seq.s32 s10, $0x1;
	s10 =	sld [smem:$0x3FB9];
	_ =	sdelay $0x3  }
0x34: {  	[smem:$0x3FB9] =	sst s10  }
0x35: {  	s10 =	sld [smem:$0x3FB8];
	_ =	sdelay $0x3  }
0x36: {  	p1 =	seq.s32 s10, $0x1;
	s10 =	sld [smem:$0x3FB9];
	_ =	sdelay $0x3  }
0x37: {  	[smem:$0x3FB9] =	sst s10  }
0x38: {  	s10 =	sld [smem:$0x3FBA]  }
0x39: {  	_ = 	snop;
	(pc) =	sbr.ind lr, $3  }
0x3a: {  	_ = 	snop  }
0x3b: {  	_ = 	snop  }
0x3c: {  	p2 =	seq.s32 s10, $0x1;
	s10 =	sld [smem:$0x3FB9]  }
0x3d: {  	_ =	shalt  }
0x3e: {  	_ =	shalt  }
0x3f: {  	_ =	shalt  }
0x40: {  	_ =	shalt  }
0x41: {  	_ =	shalt  }
0x42: {  	_ =	shalt  }
0x43: {  	_ =	shalt  }
0x44: {  	_ =	shalt  }
0x45: {  	_ =	shalt  }
0x46: {  	_ =	shalt  }
0x47: {  	_ =	shalt  }
0x48: {  	_ =	shalt  }
0x49: {  	_ =	shalt  }
0x4a: {  	_ =	shalt  }
0x4b: {  	_ =	shalt  }
0x4c: {  	_ =	shalt  }
0x4d: {  	_ =	shalt  }
0x4e: {  	_ =	shalt  }
0x4f: {  	_ =	shalt  }
0x50: {  	_ =	shalt  }
0x51: {  	_ =	shalt  }
0x52: {  	_ =	shalt  }
0x53: {  	_ =	shalt  }
0x54: {  	_ =	shalt  }
0x55: {  	_ =	shalt  }
0x56: {  	_ =	shalt  }
0x57: {  	_ =	shalt  }
0x58: {  	_ =	shalt  }
0x59: {  	_ =	shalt  }
0x5a: {  	_ =	shalt  }
0x5b: {  	_ =	shalt  }
0x5c: {  	_ =	shalt  }
0x5d: {  	_ =	shalt  }
0x5e: {  	_ =	shalt  }
0x5f: {  	_ =	shalt  }
0x60: {  	_ =	shalt  }
0x61: {  	_ =	shalt  }
0x62: {  	_ =	shalt  }
0x63: {  	_ =	shalt  }
0x64: {  	_ =	shalt  }
0x65: {  	_ =	shalt  }
0x66: {  	_ =	shalt  }
0x67: {  	_ =	shalt  }
0x68: {  	_ =	shalt  }
0x69: {  	_ =	shalt  }
0x6a: {  	_ =	shalt  }
0x6b: {  	_ =	shalt  }
0x6c: {  	_ =	shalt  }
0x6d: {  	_ =	shalt  }
0x6e: {  	_ =	shalt  }
0x6f: {  	_ =	shalt  }
0x70: {  	_ =	shalt  }
0x71: {  	_ =	shalt  }
0x72: {  	_ =	shalt  }
0x73: {  	_ =	shalt  }
0x74: {  	_ =	shalt  }
0x75: {  	_ =	shalt  }
0x76: {  	_ =	shalt  }
0x77: {  	_ =	shalt  }
0x78: {  	_ =	shalt  }
0x79: {  	_ =	shalt  }
0x7a: {  	_ =	shalt  }
0x7b: {  	_ =	shalt  }
0x7c: {  	_ =	shalt  }
0x7d: {  	_ =	shalt  }
0x7e: {  	_ =	shalt  }
0x7f: {  	_ =	shalt  }
0x80: {  	_ =	shalt  }
0x81: {  	_ =	shalt  }
0x82: {  	_ =	shalt  }
0x83: {  	_ =	shalt  }
0x84: {  	_ =	shalt  }
0x85: {  	_ =	shalt  }
0x86: {  	_ =	shalt  }
0x87: {  	_ =	shalt  }
.Lfunc_end0:
.L_simem_size_0:
called_computation_lowered:
.L_overlay_start_0:
0x88: {  	s2 =	sld [smem:$0x3FD9]  }
0x89: {  	s3 =	sld [smem:$0x3FFE];
	_ =	sdelay $0x1  }
0x8a: {  	s1 =	srdreg.scid  }
0x8b: {  	s0 =	sand.u32 $0x1, s1  }
0x8c: {  	s17 =	sshll.u32 s0, $0xA;
	s2 =	sadd.s32 s3, s2  }
0x8d: {  	s2 =	sadd.s32 s2, s17  }
0x8e: {  	[smem:$0x3FC5] =	sst s2  }
0x8f: {  	_ = 	snop  }
0x90: {  	s2 =	sld [smem:$0x3FD0];
	(tm) =	ssettm $0x1  }
0x91: {  	s18 =	sld [smem:$0x3FFB];
	_ =	sdelay $0x3  }
0x92: {  	_ =	strace s18  }
0x93: {  	s3 =	sld [smem:$0x3FFC];
	_ =	sdelay $0x3  }
0x94: {  	_ =	strace s3  }
0x95: {  	s3 =	sld [smem:$0x3FFD];
	_ =	sdelay $0x3  }
0x96: {  	_ =	strace s3  }
0x97: {  	_ =	strace $0x8FFFFFFF  }
0x98: {  	s19 =	sld [smem:$0x3FDB];
	_ =	sdelay $0x1  }
0x99: {  	s4 =	simm.s32 $_scs_section_size  }
0x9a: {  	s5 =	simm.s32 $_size__tile_overlayer_lowered;
	s6 =	simm.s32 $_tile_overlayer_lowered  }
0x9b: {  	s22 =	simm.s32 $0x1BFF;
	s21 =	sshll.u32 s6, $0x1;
	s3 =	sadd.s32 s4, s19  }
0x9c: {  	s7 =	simm.s32 $0x0;
	s20 =	sshll.u32 s5, $0x1;
	s5 =	sadd.s32 s21, s3  }
0x9d: {  	[timem:s7], [sflag:s22] =	dma.local [hbm:s5], s20  }
0x9e: {  	_ =	swait.ge [sflag:s22], s20  }
0x9f: {  	s4 =	ssub.s32 $0x0, s20;
	[sflag:s22] =	ssyncset.done $0x0  }
0xa0: {  	[sflag:s22] =	ssyncadd.s32 s4;
	_ =	sdelay $0x1  }
0xa1: {  	s23 =	simm.s32 $0x1B8B  }
0xa2: {  	_ =	swait.ge [sflag:s23], $0x1  }
0xa3: {  	[sflag:s23] =	ssyncset.done $0x0  }
0xa4: {  	s25 =	simm.s32 $0x1B8E;
	s24 =	sld [smem:$0x3FFE];
	[sflag:s23] =	ssyncadd.s32 $0xFFFFFFFF  }
0xa5: {  	s26 =	simm.s32 $execute0_lowered;
	[smem:$0x3FD2] =	sst s25  }
0xa6: {  	s5 =	sshll.u32 s26, $0x1;
	_ =	strace $0x80000046;
	[dreg:$0x1] =	wrdreg $0xFFFFFFFF  }
0xa7: {  	s28 =	simm.s32 $_size_execute0_lowered;
	s3 =	sadd.s32 s3, s5;
	[dreg:$0x0] =	wrdreg $0x0  }
0xa8: {  	s5 =	sshll.u32 s28, $0x1;
	[dreg:$0x2] =	wrdreg s3  }
0xa9: {  	[dreg:$0x3] =	wrdreg s5  }
0xaa: {  	[dreg:$0x4] =	wrdreg $0xC0  }
0xab: {  	_ =	task [dreg:s7], $0x5FFFF  }
0xac: {  	[dreg:$0x1] =	wrdreg $0xFFFFFFFF  }
0xad: {  	[dreg:$0x0] =	wrdreg $0x60  }
0xae: {  	[dreg:$0x2] =	wrdreg s24  }
0xaf: {  	[dreg:$0x3] =	wrdreg s2  }
0xb0: {  	[dreg:$0x4] =	wrdreg $0x9  }
0xb1: {  	_ =	task.clear_ibuf [dreg:s7], $0x5FFFF;
	_ =	strace $0x90000046  }
0xb2: {  	s29 =	simm.s32 $0x9;
	_ =	strace $0x80000048  }
0xb3: {  	_ =	swait.ge [sflag:s29], $0x1  }
0xb4: {  	[sflag:s29] =	ssyncadd.s32 $0xFFFFFFFF  }
0xb5: {  	_ =	strace $0x90000048  }
0xb6: {  	_ =	sfence  }
0xb7: {  	s30 =	sld [smem:$0x0];
	_ =	sdelay $0x2  }
0xb8: {  	s31 =	sshll.u32 s1, $0xD;
	s1 =	sshrl.u32 s1, $0x2  }
0xb9: {  	s3 =	sand.u32 $0x4000, s31;
	s1 =	sadd.s32 s1, s30  }
0xba: {  	s0 =	sor.u32 s3, s0;
	s1 =	sshll.u32 s1, $0x11  }
0xbb: {  	s0 =	sor.u32 s1, s0  }
0xbc: {  	s0 =	sadd.s32 $0x8F2B, s0  }
0xbd: {  	[sflag:s0] =	ssyncadd.remote.s32 $0x1  }
0xbe: {  	_ =	sfence.sel $0xFFFF  }
0xbf: {  	[dreg:$0x0] =	wrdreg $0xFFFFFFFF;
	(pc) =	sbr.abs _section_cstart, $3  }
0xc0: {  	[dreg:$0x1] =	wrdreg $0xFFFFFFFF  }
0xc1: {  	_ =	task.clear_ibuf [dreg:s7], $0x2FFFF;
	_ =	strace $0x9FFFFFFF  }
0xc2: {  	(tm) =	ssettm $0x7FFFFFFF  }
0xc3: {  	_ =	shalt  }
tec
execute0_lowered:
.L_overlay_start_1:
0x0: {  	(tag) =	ssettag $0x1  }
0x1: {  	s0 =	srdreg.scid  }
0x2: {  	s6 =	sand.u32 $0x1, s0;
	s0 =	stileid.u32  }
0x3: {  	s4 =	sor.u32 s0, s6  }
0x4: {  	p0 =	sne.s32 s4, $0x0  }
.Ltmp0:
0x5: {  	_ = 	snop;
	(pc) =	sbr.rel @p0 .LBB2_4-.Ltmp0, $4  }
0x6: {  	_ = 	snop  }
0x7: {  	s2 =	rddreg [dreg:$0x0]  }
0x8: {  	s3 =	rddreg [dreg:$0x1]  }
0x9: {  	s1 =	rddreg [dreg:$0x2];
	_ =	strace $0x80000047  }
0xa: {  	s5 =	simm.s32 $0x0;
	s4 =	simm.s32 $0x1  }
0xb: {  	[tilespmem:s5], [sflag:$0x1] =	stream.linear.gather [hbm4b:s2+s5], $0x100, $0x38;
	[tilespmem:$0x180] =	vst v63  }
0xc: {  	_ =	swait.ge [sflag:s4], $0x100  }
0xd: {  	[sflag:s4] =	ssyncset.done $0x0  }
0xe: {  	[sflag:s4] =	ssyncadd.s32 $0xFFFFFF00  }
0xf: {  	v0 =	vld [tilespmem:$0x0];
	_ =	sdelay $0x1  }
0x10: {  	v1 =	vld [tilespmem:$0x10];
	_ =	sdelay $0x1  }
0x11: {  	v2 =	vld [tilespmem:$0x20]  }
0x12: {  	v0 =	vadd.f32 $0.0e+00, v0  }
0x13: {  	v3 =	vld [tilespmem:$0x30]  }
0x14: {  	v0 =	vadd.f32 v1, v0  }
0x15: {  	v52 =	vld [tilespmem:$0x40]  }
0x16: {  	v0 =	vadd.f32 v2, v0  }
0x17: {  	v53 =	vld [tilespmem:$0x50]  }
0x18: {  	v0 =	vadd.f32 v3, v0  }
0x19: {  	v54 =	vld [tilespmem:$0x60]  }
0x1a: {  	v0 =	vadd.f32 v52, v0  }
0x1b: {  	v55 =	vld [tilespmem:$0x70]  }
0x1c: {  	v0 =	vadd.f32 v53, v0  }
0x1d: {  	v56 =	vld [tilespmem:$0x80]  }
0x1e: {  	v0 =	vadd.f32 v54, v0  }
0x1f: {  	v57 =	vld [tilespmem:$0x90]  }
0x20: {  	v0 =	vadd.f32 v55, v0  }
0x21: {  	v58 =	vld [tilespmem:$0xA0]  }
0x22: {  	v0 =	vadd.f32 v56, v0  }
0x23: {  	v59 =	vld [tilespmem:$0xB0]  }
0x24: {  	v0 =	vadd.f32 v57, v0  }
0x25: {  	v60 =	vld [tilespmem:$0xC0]  }
0x26: {  	v0 =	vadd.f32 v58, v0  }
0x27: {  	v61 =	vld [tilespmem:$0xD0]  }
0x28: {  	v0 =	vadd.f32 v59, v0  }
0x29: {  	v62 =	vld [tilespmem:$0xE0]  }
0x2a: {  	v0 =	vadd.f32 v60, v0  }
0x2b: {  	v63 =	vld [tilespmem:$0xF0]  }
0x2c: {  	v0 =	vadd.f32 v61, v0  }
0x2d: {  	s6 =	ssub.s32 $0x2, s6  }
0x2e: {  	s7 =	sshrl.u32 s6, $0x1;
	v0 =	vadd.f32 v62, v0  }
0x2f: {  	s7 =	ssub.s32 s6, s7  }
0x30: {  	p0 =	sne.s32 s7, $0x1;
	v0 =	vadd.f32 v63, v0  }
.Ltmp1:
0x31: {  	_ = 	snop;
	(pc) =	sbr.rel @!p0 .LBB2_3-.Ltmp1, $4  }
0x32: {  	s6 =	simm.s32 $0x100;
	[tilespmem:$0x100] =	vst v0  }
0x33: {  	[hbm4b:s3+s5] =	stream.linear.scatter [tilespmem:s6], [sflag:$0x1], $0x80, $0x38;
	[tilespmem:$0x180] =	vst v63  }
0x34: {  	_ =	swait.ge [sflag:s4], $0x80  }
0x35: {  	s7 =	sadd.s32 $0xFFFFFFFF, s7;
	[sflag:s4] =	ssyncset.done $0x0  }
.LBB2_2:
0x36: {  	p0 =	sne.s32 s7, $0x1;
	s7 =	sadd.s32 $0xFFFFFFFF, s7;
	[sflag:s4] =	ssyncadd.s32 $0xFFFFFF80  }
0x37: {  	[tilespmem:s5], [sflag:$0x1] =	stream.linear.gather [hbm4b:s2+s5], $0x100, $0x38;
	[tilespmem:$0x180] =	vst v63  }
0x38: {  	_ =	swait.ge [sflag:s4], $0x100  }
0x39: {  	[sflag:s4] =	ssyncset.done $0x0  }
0x3a: {  	[sflag:s4] =	ssyncadd.s32 $0xFFFFFF00  }
0x3b: {  	v0 =	vld [tilespmem:$0x0];
	_ =	sdelay $0x1  }
0x3c: {  	v1 =	vld [tilespmem:$0x10];
	_ =	sdelay $0x1  }
0x3d: {  	v2 =	vld [tilespmem:$0x20]  }
0x3e: {  	v0 =	vadd.f32 $0.0e+00, v0  }
0x3f: {  	v3 =	vld [tilespmem:$0x30]  }
0x40: {  	v0 =	vadd.f32 v1, v0  }
0x41: {  	v1 =	vld [tilespmem:$0x40]  }
0x42: {  	v0 =	vadd.f32 v2, v0  }
0x43: {  	v2 =	vld [tilespmem:$0x50]  }
0x44: {  	v0 =	vadd.f32 v3, v0  }
0x45: {  	v3 =	vld [tilespmem:$0x60]  }
0x46: {  	v0 =	vadd.f32 v1, v0  }
0x47: {  	v1 =	vld [tilespmem:$0x70]  }
0x48: {  	v0 =	vadd.f32 v2, v0  }
0x49: {  	v2 =	vld [tilespmem:$0x80]  }
0x4a: {  	v0 =	vadd.f32 v3, v0  }
0x4b: {  	v3 =	vld [tilespmem:$0x90]  }
0x4c: {  	v0 =	vadd.f32 v1, v0  }
0x4d: {  	v1 =	vld [tilespmem:$0xA0]  }
0x4e: {  	v0 =	vadd.f32 v2, v0  }
0x4f: {  	v2 =	vld [tilespmem:$0xB0]  }
0x50: {  	v0 =	vadd.f32 v3, v0  }
0x51: {  	v3 =	vld [tilespmem:$0xC0]  }
0x52: {  	v0 =	vadd.f32 v1, v0  }
0x53: {  	v1 =	vld [tilespmem:$0xD0]  }
0x54: {  	v0 =	vadd.f32 v2, v0  }
0x55: {  	v2 =	vld [tilespmem:$0xE0]  }
0x56: {  	v0 =	vadd.f32 v3, v0  }
0x57: {  	v3 =	vld [tilespmem:$0xF0]  }
0x58: {  	v0 =	vadd.f32 v1, v0;
	_ =	sdelay $0x1  }
0x59: {  	v0 =	vadd.f32 v2, v0;
	_ =	sdelay $0x1  }
0x5a: {  	v0 =	vadd.f32 v3, v0  }
.Ltmp2:
0x5b: {  	(pc) =	sbr.rel @p0 .LBB2_2-.Ltmp2, $4  }
0x5c: {  	[tilespmem:$0x100] =	vst v0  }
0x5d: {  	[hbm4b:s3+s5] =	stream.linear.scatter [tilespmem:s6], [sflag:$0x1], $0x80, $0x38;
	[tilespmem:$0x180] =	vst v63  }
0x5e: {  	_ =	swait.ge [sflag:s4], $0x80  }
0x5f: {  	[sflag:s4] =	ssyncset.done $0x0  }
.LBB2_3:
0x60: {  	[sflag:s4] =	ssyncadd.s32 $0xFFFFFF80  }
.LBB2_4:
0x61: {  	_ =	sfence.sel $0x180000  }
0x62: {  	[bflag:$0x0] =	sbarrier.arrive $0xFFFF  }
0x63: {  	p0 =	sne.s32 s0, $0x0;
	_ =	strace $0x90000047  }
0x64: {  	s0 =	sadd.s32 @!p0 $0x100000, s1;
	[bflag:$0x2] =	sbarrier.arrive $0xFFFF  }
0x65: {  	[sflag:s0] =	ssyncadd.tile.s32 @!p0 $0x1;
	_ =	shalt  }
.Lfunc_end2:
_tile_overlayer_lowered:
.L_overlay_start_2:
0x66: {  	(tag) =	ssettag $0x2  }
0x67: {  	s0 =	rddreg [dreg:$0x0];
	s2 =	stileid.u32  }
0x68: {  	s1 =	rddreg [dreg:$0x1];
	p0 =	sne.s32 s2, $0x0  }
0x69: {  	s3 =	rddreg [dreg:$0x2];
	[bflag:$0x3] =	sbarrier.arrive $0xFFFF;
	s2 =	simm.s32 @!p0 $0x1C01  }
0x6a: {  	[timem:s3], [sflag:s2] =	dma.local @!p0 [hbm:s0], s1  }
0x6b: {  	s0 =	simm.s32 @!p0 $0x1  }
0x6c: {  	_ =	swait.ge @!p0 [sflag:s0], s1  }
0x6d: {  	s1 =	ssub.s32 @!p0 $0x0, s1;
	[sflag:s0] =	ssyncset.done @!p0 $0x0  }
0x6e: {  	[sflag:s0] =	ssyncadd.s32 @!p0 s1  }
0x6f: {  	[bflag:$0x3] =	sbarrier.arrive $0xFFFF  }
0x70: {  	_ =	shalt  }

</sc_bundles>
